<compile_context>
chip_gen: v7x
topology: tpu7x:2x2x1
jax: 0.10.2.dev20260603
libtpu: 0.0.44.dev20260713+nightly
codegen_flags: <defaults>
</compile_context>

<pallas_src>
import functools

import jax
import jax.numpy as jnp
from jax import lax
from jax.experimental import pallas as pl
from jax.experimental.pallas import tpu as pltpu
from jax.experimental.pallas import tpu_sc as plsc

_BETA = 0.9
_LAMBDA = 7.0
_B = 4096
_C = 128
_BLK = 2048
_STEPS = _B // _BLK

_NC = 1
_NS = 16
_NW = _NC * _NS
_BPW = _B // _NW


_CHUNKS = 4
_CROWS = _BPW // _CHUNKS


def _sc_gather_body(table_hbm, idx_hbm, out_hbm, idx_v, rows_v, gsems, wsems):
    wid = lax.axis_index("s") * _NC + lax.axis_index("c")
    base = wid * _BPW
    pltpu.sync_copy(idx_hbm.at[pl.ds(base, _BPW)], idx_v)
    gathers = [
        pltpu.async_copy(
            table_hbm.at[idx_v.at[pl.ds(c * _CROWS, _CROWS)]],
            rows_v.at[c], gsems[c])
        for c in range(_CHUNKS)
    ]
    writes = []
    for c in range(_CHUNKS):
        gathers[c].wait()
        writes.append(pltpu.async_copy(
            rows_v.at[c], out_hbm.at[pl.ds(base + c * _CROWS, _CROWS)],
            wsems[c]))
    for w in writes:
        w.wait()


def _tc_stage1_body(out_ref, p_ref, t2_ref):
    x = out_ref[...]
    m = jnp.max(x, axis=1, keepdims=True)
    e = jnp.exp(x - m)
    s = jnp.sum(e, axis=1, keepdims=True)
    p = e / s
    p = jnp.clip(p, 0.0001, 1.0 - 0.0001)
    pn = p / jnp.sum(p, axis=1, keepdims=True)
    p_ref[...] = p.astype(jnp.bfloat16)
    t2_ref[...] = jnp.sum(pn * p, axis=1)[None, None, :]


def _tc_stage2_body(closs_ref, old_ref, p_ref, t2_ref, loss_ref, acc_ref):
    i = pl.program_id(0)

    @pl.when(i == 0)
    def _():
        acc_ref[0, 0] = 0.0

    d = _BETA * jnp.sum(old_ref[...] * p_ref[...].astype(jnp.float32), axis=1) \
        + (1.0 - _BETA) * t2_ref[0, 0, :]
    acc_ref[0, 0] += jnp.sum(jnp.log(1.0 - d))

    @pl.when(i == _STEPS - 1)
    def _():
        loss_ref[0, 0] = closs_ref[0] + _LAMBDA * (acc_ref[0, 0] / _B)


def kernel(index, output, label, contrastive_loss, confi_weight, target):
    del label, confi_weight

    mesh = plsc.VectorSubcoreMesh(
        core_axis_name="c", subcore_axis_name="s",
        num_cores=_NC, num_subcores=_NS,
    )
    sc_gather = functools.partial(
        pl.kernel,
        mesh=mesh,
        out_type=jax.ShapeDtypeStruct((_B, _C), jnp.float32),
        scratch_types=[
            pltpu.VMEM((_BPW,), jnp.int32),
            pltpu.VMEM((_CHUNKS, _CROWS, _C), jnp.float32),
            [pltpu.SemaphoreType.DMA] * _CHUNKS,
            [pltpu.SemaphoreType.DMA] * _CHUNKS,
        ],
    )(_sc_gather_body)
    gathered = sc_gather(target, index)

    p, t2 = pl.pallas_call(
        _tc_stage1_body,
        grid=(_STEPS,),
        in_specs=[pl.BlockSpec((_BLK, _C), lambda i: (i, 0))],
        out_specs=[
            pl.BlockSpec((_BLK, _C), lambda i: (i, 0)),
            pl.BlockSpec((1, 1, _BLK), lambda i: (i, 0, 0)),
        ],
        out_shape=[
            jax.ShapeDtypeStruct((_B, _C), jnp.bfloat16),
            jax.ShapeDtypeStruct((_STEPS, 1, _BLK), jnp.float32),
        ],
    )(output)

    closs = jnp.reshape(contrastive_loss, (1,))
    loss = pl.pallas_call(
        _tc_stage2_body,
        grid=(_STEPS,),
        in_specs=[
            pl.BlockSpec(memory_space=pltpu.SMEM),
            pl.BlockSpec((_BLK, _C), lambda i: (i, 0)),
            pl.BlockSpec((_BLK, _C), lambda i: (i, 0)),
            pl.BlockSpec((1, 1, _BLK), lambda i: (i, 0, 0)),
        ],
        out_specs=pl.BlockSpec(memory_space=pltpu.SMEM),
        out_shape=jax.ShapeDtypeStruct((1, 1), jnp.float32),
        scratch_shapes=[pltpu.SMEM((1, 1), jnp.float32)],
    )(closs, gathered, p, t2)
    return jnp.reshape(loss, ())

# --- scband reference (transcript-rebuilt; emitter-appended) ---
"""Pipeline reference for scband-elr-loss-558345748900 (READ-ONLY COPY).

The authoritative reference and input builder live on the scoring server;
editing this copy changes nothing except your own understanding.
"""

import jax, jax.numpy as jnp
import numpy as np

NUM_EXAMP = 1000000
NUM_CLASSES = 128
LAMBDA_IDX = 7.0
BETA = 0.9
BATCH = 4096


def setup_inputs(seed: int = 0) -> dict:
    key = jax.random.key(seed)
    k1, k2, k3, k4 = jax.random.split(key, 4)
    index = jnp.arange(BATCH, dtype=jnp.int32)
    output = jax.random.normal(k1, (BATCH, NUM_CLASSES), dtype=jnp.float32)
    label = jax.random.randint(k2, (BATCH,), 0, NUM_CLASSES, dtype=jnp.int32)
    contrastive_loss = jax.random.uniform(k3, (), dtype=jnp.float32)
    confi_weight = jax.random.uniform(k4, (), dtype=jnp.float32)
    # persistent temporal-ensembling memory buffer (nn.Module buffer `self.target`)
    target = jnp.zeros((NUM_EXAMP, NUM_CLASSES), dtype=jnp.float32)
    return {
        "index": index,
        "output": output,
        "label": label,
        "contrastive_loss": contrastive_loss,
        "confi_weight": confi_weight,
        "target": target,
    }


def reference(index, output, label, contrastive_loss, confi_weight, target):
    y_pred = jax.nn.softmax(output, axis=1)
    y_pred = jnp.clip(y_pred, 0.0001, 1.0 - 0.0001)
    y_pred_ = jax.lax.stop_gradient(y_pred)
    # gather old rows, EMA update, scatter-overwrite back into memory
    old_rows = jnp.take(target, index, axis=0)
    new_rows = BETA * old_rows + (1.0 - BETA) * (
        y_pred_ / jnp.sum(y_pred_, axis=1, keepdims=True)
    )
    target = target.at[index].set(new_rows)
    # elr_reg uses the freshly updated rows (torch reads self.target[index] post-update)
    elr_reg = jnp.mean(jnp.log(1.0 - jnp.sum(new_rows * y_pred, axis=1)))
    final_loss = contrastive_loss + LAMBDA_IDX * elr_reg
    return final_loss

if __name__ == "__main__":
    import jax
    _d = setup_inputs()
    print(jax.jit(kernel)(*tuple(_d.values())))

</pallas_src>

<mosaic_0001>
#map = affine_map<(d0, d1) -> (0, 0)>
#map1 = affine_map<(d0, d1) -> (0)>
module attributes {stable_mosaic.version = 14 : i64} {
  func.func @_sc_gather_body(%arg0: i32, %arg1: i32, %arg2: memref<1000000x128xf32, #tpu.memory_space<hbm>>, %arg3: memref<4096xi32, #tpu.memory_space<hbm>>, %arg4: memref<4096x128xf32, #tpu.memory_space<hbm>>, %arg5: memref<256xi32, #tpu.memory_space<vmem>>, %arg6: memref<4x64x128xf32, #tpu.memory_space<vmem>>, %arg7: memref<!tpu.dma_semaphore, #tpu.memory_space<semaphore_mem>>, %arg8: memref<!tpu.dma_semaphore, #tpu.memory_space<semaphore_mem>>, %arg9: memref<!tpu.dma_semaphore, #tpu.memory_space<semaphore_mem>>, %arg10: memref<!tpu.dma_semaphore, #tpu.memory_space<semaphore_mem>>, %arg11: memref<!tpu.dma_semaphore, #tpu.memory_space<semaphore_mem>>, %arg12: memref<!tpu.dma_semaphore, #tpu.memory_space<semaphore_mem>>, %arg13: memref<!tpu.dma_semaphore, #tpu.memory_space<semaphore_mem>>, %arg14: memref<!tpu.dma_semaphore, #tpu.memory_space<semaphore_mem>>) attributes {dimension_semantics = [#tpu.dimension_semantics<core_parallel>, #tpu.dimension_semantics<subcore_parallel>], iteration_bounds = array<i64: 1, 16>, scalar_prefetch = 0 : i64, scratch_operands = 10 : i64, tpu.core_type = #tpu.core_type<sc_vector_subcore>, window_params = [{transform_indices = #map}, {transform_indices = #map1}, {transform_indices = #map}]} {
    %mul3A = arith.constant 1 : i32
    %mul3A_0 = arith.muli %arg1, %mul3A : i32
    %add3A = arith.addi %mul3A_0, %arg0 : i32
    %mul3A_1 = arith.constant 256 : i32
    %mul3A_2 = arith.muli %add3A, %mul3A_1 : i32
    "tpu.region"() ({
      %run_scoped3A = tpu.sem_alloc : memref<!tpu.dma_semaphore, #tpu.memory_space<semaphore_mem>>
      %dma_start3A_193 = tpu.memref_slice %arg3[%mul3A_2] : memref<4096xi32, #tpu.memory_space<hbm>> -> memref<256xi32, #tpu.memory_space<hbm>>
      %dma_start3A_194 = tpu.memref_slice %arg3[%mul3A_2] : memref<4096xi32, #tpu.memory_space<hbm>> -> memref<256xi32, #tpu.memory_space<hbm>>
      tpu.enqueue_dma source(%dma_start3A_194 : memref<256xi32, #tpu.memory_space<hbm>>) target(%arg5 : memref<256xi32, #tpu.memory_space<vmem>>) target_semaphore(%run_scoped3A : memref<!tpu.dma_semaphore, #tpu.memory_space<semaphore_mem>>)
      %dma_wait3A_195 = tpu.memref_slice %arg3[%mul3A_2] : memref<4096xi32, #tpu.memory_space<hbm>> -> memref<256xi32, #tpu.memory_space<hbm>>
      %dma_wait3A_196 = tpu.memref_slice %arg3[%mul3A_2] : memref<4096xi32, #tpu.memory_space<hbm>> -> memref<256xi32, #tpu.memory_space<hbm>>
      tpu.wait_dma2 semaphore(%run_scoped3A : memref<!tpu.dma_semaphore, #tpu.memory_space<semaphore_mem>>) src(%dma_wait3A_196 : memref<256xi32, #tpu.memory_space<hbm>>) dst(%arg5 : memref<256xi32, #tpu.memory_space<vmem>>)
      tpu.yield
    }) : () -> ()
    %dma_start3A = arith.constant 0 : i32
    %dma_start3A_3 = arith.constant 0 : i32
    %dma_start3A_4 = arith.constant 0 : i32
    %dma_start3A_5 = tpu.memref_slice %arg6[%dma_start3A, %dma_start3A_3, %dma_start3A_4] : memref<4x64x128xf32, #tpu.memory_space<vmem>> -> memref<1x64x128xf32, #tpu.memory_space<vmem>>
    %dma_start3A_6 = tpu.memref_squeeze %dma_start3A_5 : memref<1x64x128xf32, #tpu.memory_space<vmem>> -> memref<64x128xf32, #tpu.memory_space<vmem>>
    %dma_start3A_7 = arith.constant 0 : i32
    %dma_start3A_8 = tpu.memref_slice %arg5[%dma_start3A_7] : memref<256xi32, #tpu.memory_space<vmem>> -> memref<64xi32, #tpu.memory_space<vmem>>
    %dma_start3A_9 = arith.constant 0 : i32
    %dma_start3A_10 = arith.constant 0 : i32
    %dma_start3A_11 = tpu.memref_slice %arg2[%dma_start3A_9, %dma_start3A_10] : memref<1000000x128xf32, #tpu.memory_space<hbm>> -> memref<1000000x128xf32, #tpu.memory_space<hbm>>
    tpu.enqueue_indirect_dma source(%dma_start3A_11 : memref<1000000x128xf32, #tpu.memory_space<hbm>>) target(%dma_start3A_6 : memref<64x128xf32, #tpu.memory_space<vmem>>) offsets(%dma_start3A_8 : memref<64xi32, #tpu.memory_space<vmem>>) semaphore(%arg7 : memref<!tpu.dma_semaphore, #tpu.memory_space<semaphore_mem>>)
    %dma_start3A_12 = arith.constant 1 : i32
    %dma_start3A_13 = arith.constant 0 : i32
    %dma_start3A_14 = arith.constant 0 : i32
    %dma_start3A_15 = tpu.memref_slice %arg6[%dma_start3A_12, %dma_start3A_13, %dma_start3A_14] : memref<4x64x128xf32, #tpu.memory_space<vmem>> -> memref<1x64x128xf32, #tpu.memory_space<vmem>>
    %dma_start3A_16 = tpu.memref_squeeze %dma_start3A_15 : memref<1x64x128xf32, #tpu.memory_space<vmem>> -> memref<64x128xf32, #tpu.memory_space<vmem>>
    %dma_start3A_17 = arith.constant 64 : i32
    %dma_start3A_18 = tpu.memref_slice %arg5[%dma_start3A_17] : memref<256xi32, #tpu.memory_space<vmem>> -> memref<64xi32, #tpu.memory_space<vmem>>
    %dma_start3A_19 = arith.constant 0 : i32
    %dma_start3A_20 = arith.constant 0 : i32
    %dma_start3A_21 = tpu.memref_slice %arg2[%dma_start3A_19, %dma_start3A_20] : memref<1000000x128xf32, #tpu.memory_space<hbm>> -> memref<1000000x128xf32, #tpu.memory_space<hbm>>
    tpu.enqueue_indirect_dma source(%dma_start3A_21 : memref<1000000x128xf32, #tpu.memory_space<hbm>>) target(%dma_start3A_16 : memref<64x128xf32, #tpu.memory_space<vmem>>) offsets(%dma_start3A_18 : memref<64xi32, #tpu.memory_space<vmem>>) semaphore(%arg8 : memref<!tpu.dma_semaphore, #tpu.memory_space<semaphore_mem>>)
    %dma_start3A_22 = arith.constant 2 : i32
    %dma_start3A_23 = arith.constant 0 : i32
    %dma_start3A_24 = arith.constant 0 : i32
    %dma_start3A_25 = tpu.memref_slice %arg6[%dma_start3A_22, %dma_start3A_23, %dma_start3A_24] : memref<4x64x128xf32, #tpu.memory_space<vmem>> -> memref<1x64x128xf32, #tpu.memory_space<vmem>>
    %dma_start3A_26 = tpu.memref_squeeze %dma_start3A_25 : memref<1x64x128xf32, #tpu.memory_space<vmem>> -> memref<64x128xf32, #tpu.memory_space<vmem>>
    %dma_start3A_27 = arith.constant 128 : i32
    %dma_start3A_28 = tpu.memref_slice %arg5[%dma_start3A_27] : memref<256xi32, #tpu.memory_space<vmem>> -> memref<64xi32, #tpu.memory_space<vmem>>
    %dma_start3A_29 = arith.constant 0 : i32
    %dma_start3A_30 = arith.constant 0 : i32
    %dma_start3A_31 = tpu.memref_slice %arg2[%dma_start3A_29, %dma_start3A_30] : memref<1000000x128xf32, #tpu.memory_space<hbm>> -> memref<1000000x128xf32, #tpu.memory_space<hbm>>
    tpu.enqueue_indirect_dma source(%dma_start3A_31 : memref<1000000x128xf32, #tpu.memory_space<hbm>>) target(%dma_start3A_26 : memref<64x128xf32, #tpu.memory_space<vmem>>) offsets(%dma_start3A_28 : memref<64xi32, #tpu.memory_space<vmem>>) semaphore(%arg9 : memref<!tpu.dma_semaphore, #tpu.memory_space<semaphore_mem>>)
    %dma_start3A_32 = arith.constant 3 : i32
    %dma_start3A_33 = arith.constant 0 : i32
    %dma_start3A_34 = arith.constant 0 : i32
    %dma_start3A_35 = tpu.memref_slice %arg6[%dma_start3A_32, %dma_start3A_33, %dma_start3A_34] : memref<4x64x128xf32, #tpu.memory_space<vmem>> -> memref<1x64x128xf32, #tpu.memory_space<vmem>>
    %dma_start3A_36 = tpu.memref_squeeze %dma_start3A_35 : memref<1x64x128xf32, #tpu.memory_space<vmem>> -> memref<64x128xf32, #tpu.memory_space<vmem>>
    %dma_start3A_37 = arith.constant 192 : i32
    %dma_start3A_38 = tpu.memref_slice %arg5[%dma_start3A_37] : memref<256xi32, #tpu.memory_space<vmem>> -> memref<64xi32, #tpu.memory_space<vmem>>
    %dma_start3A_39 = arith.constant 0 : i32
    %dma_start3A_40 = arith.constant 0 : i32
    %dma_start3A_41 = tpu.memref_slice %arg2[%dma_start3A_39, %dma_start3A_40] : memref<1000000x128xf32, #tpu.memory_space<hbm>> -> memref<1000000x128xf32, #tpu.memory_space<hbm>>
    tpu.enqueue_indirect_dma source(%dma_start3A_41 : memref<1000000x128xf32, #tpu.memory_space<hbm>>) target(%dma_start3A_36 : memref<64x128xf32, #tpu.memory_space<vmem>>) offsets(%dma_start3A_38 : memref<64xi32, #tpu.memory_space<vmem>>) semaphore(%arg10 : memref<!tpu.dma_semaphore, #tpu.memory_space<semaphore_mem>>)
    %dma_wait3A = arith.constant 0 : i32
    %dma_wait3A_42 = arith.constant 0 : i32
    %dma_wait3A_43 = arith.constant 0 : i32
    %dma_wait3A_44 = tpu.memref_slice %arg6[%dma_wait3A, %dma_wait3A_42, %dma_wait3A_43] : memref<4x64x128xf32, #tpu.memory_space<vmem>> -> memref<1x64x128xf32, #tpu.memory_space<vmem>>
    %dma_wait3A_45 = tpu.memref_squeeze %dma_wait3A_44 : memref<1x64x128xf32, #tpu.memory_space<vmem>> -> memref<64x128xf32, #tpu.memory_space<vmem>>
    %dma_wait3A_46 = arith.constant 0 : i32
    %dma_wait3A_47 = tpu.memref_slice %arg5[%dma_wait3A_46] : memref<256xi32, #tpu.memory_space<vmem>> -> memref<64xi32, #tpu.memory_space<vmem>>
    %dma_wait3A_48 = arith.constant 0 : i32
    %dma_wait3A_49 = arith.constant 0 : i32
    %dma_wait3A_50 = tpu.memref_slice %arg2[%dma_wait3A_48, %dma_wait3A_49] : memref<1000000x128xf32, #tpu.memory_space<hbm>> -> memref<1000000x128xf32, #tpu.memory_space<hbm>>
    tpu.wait_indirect_dma semaphore(%arg7 : memref<!tpu.dma_semaphore, #tpu.memory_space<semaphore_mem>>) src(%dma_wait3A_50 : memref<1000000x128xf32, #tpu.memory_space<hbm>>) dst(%dma_wait3A_45 : memref<64x128xf32, #tpu.memory_space<vmem>>)
    %add3A_51 = arith.constant 0 : i32
    %add3A_52 = arith.addi %mul3A_2, %add3A_51 : i32
    %dma_start3A_53 = arith.constant 0 : i32
    %dma_start3A_54 = arith.constant 0 : i32
    %dma_start3A_55 = arith.constant 0 : i32
    %dma_start3A_56 = tpu.memref_slice %arg6[%dma_start3A_53, %dma_start3A_54, %dma_start3A_55] : memref<4x64x128xf32, #tpu.memory_space<vmem>> -> memref<1x64x128xf32, #tpu.memory_space<vmem>>
    %dma_start3A_57 = tpu.memref_squeeze %dma_start3A_56 : memref<1x64x128xf32, #tpu.memory_space<vmem>> -> memref<64x128xf32, #tpu.memory_space<vmem>>
    %dma_start3A_58 = arith.constant 0 : i32
    %dma_start3A_59 = tpu.memref_slice %arg4[%add3A_52, %dma_start3A_58] : memref<4096x128xf32, #tpu.memory_space<hbm>> -> memref<64x128xf32, #tpu.memory_space<hbm>>
    %dma_start3A_60 = arith.constant 0 : i32
    %dma_start3A_61 = tpu.memref_slice %arg4[%add3A_52, %dma_start3A_60] : memref<4096x128xf32, #tpu.memory_space<hbm>> -> memref<64x128xf32, #tpu.memory_space<hbm>>
    %dma_start3A_62 = arith.constant 0 : i32
    %dma_start3A_63 = arith.constant 0 : i32
    %dma_start3A_64 = tpu.memref_slice %arg6[%dma_start3A_53, %dma_start3A_62, %dma_start3A_63] : memref<4x64x128xf32, #tpu.memory_space<vmem>> -> memref<1x64x128xf32, #tpu.memory_space<vmem>>
    %dma_start3A_65 = tpu.memref_squeeze %dma_start3A_64 : memref<1x64x128xf32, #tpu.memory_space<vmem>> -> memref<64x128xf32, #tpu.memory_space<vmem>>
    tpu.enqueue_dma source(%dma_start3A_65 : memref<64x128xf32, #tpu.memory_space<vmem>>) target(%dma_start3A_61 : memref<64x128xf32, #tpu.memory_space<hbm>>) target_semaphore(%arg11 : memref<!tpu.dma_semaphore, #tpu.memory_space<semaphore_mem>>)
    %dma_wait3A_66 = arith.constant 1 : i32
    %dma_wait3A_67 = arith.constant 0 : i32
    %dma_wait3A_68 = arith.constant 0 : i32
    %dma_wait3A_69 = tpu.memref_slice %arg6[%dma_wait3A_66, %dma_wait3A_67, %dma_wait3A_68] : memref<4x64x128xf32, #tpu.memory_space<vmem>> -> memref<1x64x128xf32, #tpu.memory_space<vmem>>
    %dma_wait3A_70 = tpu.memref_squeeze %dma_wait3A_69 : memref<1x64x128xf32, #tpu.memory_space<vmem>> -> memref<64x128xf32, #tpu.memory_space<vmem>>
    %dma_wait3A_71 = arith.constant 64 : i32
    %dma_wait3A_72 = tpu.memref_slice %arg5[%dma_wait3A_71] : memref<256xi32, #tpu.memory_space<vmem>> -> memref<64xi32, #tpu.memory_space<vmem>>
    %dma_wait3A_73 = arith.constant 0 : i32
    %dma_wait3A_74 = arith.constant 0 : i32
    %dma_wait3A_75 = tpu.memref_slice %arg2[%dma_wait3A_73, %dma_wait3A_74] : memref<1000000x128xf32, #tpu.memory_space<hbm>> -> memref<1000000x128xf32, #tpu.memory_space<hbm>>
    tpu.wait_indirect_dma semaphore(%arg8 : memref<!tpu.dma_semaphore, #tpu.memory_space<semaphore_mem>>) src(%dma_wait3A_75 : memref<1000000x128xf32, #tpu.memory_space<hbm>>) dst(%dma_wait3A_70 : memref<64x128xf32, #tpu.memory_space<vmem>>)
    %add3A_76 = arith.constant 64 : i32
    %add3A_77 = arith.addi %mul3A_2, %add3A_76 : i32
    %dma_start3A_78 = arith.constant 1 : i32
    %dma_start3A_79 = arith.constant 0 : i32
    %dma_start3A_80 = arith.constant 0 : i32
    %dma_start3A_81 = tpu.memref_slice %arg6[%dma_start3A_78, %dma_start3A_79, %dma_start3A_80] : memref<4x64x128xf32, #tpu.memory_space<vmem>> -> memref<1x64x128xf32, #tpu.memory_space<vmem>>
    %dma_start3A_82 = tpu.memref_squeeze %dma_start3A_81 : memref<1x64x128xf32, #tpu.memory_space<vmem>> -> memref<64x128xf32, #tpu.memory_space<vmem>>
    %dma_start3A_83 = arith.constant 0 : i32
    %dma_start3A_84 = tpu.memref_slice %arg4[%add3A_77, %dma_start3A_83] : memref<4096x128xf32, #tpu.memory_space<hbm>> -> memref<64x128xf32, #tpu.memory_space<hbm>>
    %dma_start3A_85 = arith.constant 0 : i32
    %dma_start3A_86 = tpu.memref_slice %arg4[%add3A_77, %dma_start3A_85] : memref<4096x128xf32, #tpu.memory_space<hbm>> -> memref<64x128xf32, #tpu.memory_space<hbm>>
    %dma_start3A_87 = arith.constant 0 : i32
    %dma_start3A_88 = arith.constant 0 : i32
    %dma_start3A_89 = tpu.memref_slice %arg6[%dma_start3A_78, %dma_start3A_87, %dma_start3A_88] : memref<4x64x128xf32, #tpu.memory_space<vmem>> -> memref<1x64x128xf32, #tpu.memory_space<vmem>>
    %dma_start3A_90 = tpu.memref_squeeze %dma_start3A_89 : memref<1x64x128xf32, #tpu.memory_space<vmem>> -> memref<64x128xf32, #tpu.memory_space<vmem>>
    tpu.enqueue_dma source(%dma_start3A_90 : memref<64x128xf32, #tpu.memory_space<vmem>>) target(%dma_start3A_86 : memref<64x128xf32, #tpu.memory_space<hbm>>) target_semaphore(%arg12 : memref<!tpu.dma_semaphore, #tpu.memory_space<semaphore_mem>>)
    %dma_wait3A_91 = arith.constant 2 : i32
    %dma_wait3A_92 = arith.constant 0 : i32
    %dma_wait3A_93 = arith.constant 0 : i32
    %dma_wait3A_94 = tpu.memref_slice %arg6[%dma_wait3A_91, %dma_wait3A_92, %dma_wait3A_93] : memref<4x64x128xf32, #tpu.memory_space<vmem>> -> memref<1x64x128xf32, #tpu.memory_space<vmem>>
    %dma_wait3A_95 = tpu.memref_squeeze %dma_wait3A_94 : memref<1x64x128xf32, #tpu.memory_space<vmem>> -> memref<64x128xf32, #tpu.memory_space<vmem>>
    %dma_wait3A_96 = arith.constant 128 : i32
    %dma_wait3A_97 = tpu.memref_slice %arg5[%dma_wait3A_96] : memref<256xi32, #tpu.memory_space<vmem>> -> memref<64xi32, #tpu.memory_space<vmem>>
    %dma_wait3A_98 = arith.constant 0 : i32
    %dma_wait3A_99 = arith.constant 0 : i32
    %dma_wait3A_100 = tpu.memref_slice %arg2[%dma_wait3A_98, %dma_wait3A_99] : memref<1000000x128xf32, #tpu.memory_space<hbm>> -> memref<1000000x128xf32, #tpu.memory_space<hbm>>
    tpu.wait_indirect_dma semaphore(%arg9 : memref<!tpu.dma_semaphore, #tpu.memory_space<semaphore_mem>>) src(%dma_wait3A_100 : memref<1000000x128xf32, #tpu.memory_space<hbm>>) dst(%dma_wait3A_95 : memref<64x128xf32, #tpu.memory_space<vmem>>)
    %add3A_101 = arith.constant 128 : i32
    %add3A_102 = arith.addi %mul3A_2, %add3A_101 : i32
    %dma_start3A_103 = arith.constant 2 : i32
    %dma_start3A_104 = arith.constant 0 : i32
    %dma_start3A_105 = arith.constant 0 : i32
    %dma_start3A_106 = tpu.memref_slice %arg6[%dma_start3A_103, %dma_start3A_104, %dma_start3A_105] : memref<4x64x128xf32, #tpu.memory_space<vmem>> -> memref<1x64x128xf32, #tpu.memory_space<vmem>>
    %dma_start3A_107 = tpu.memref_squeeze %dma_start3A_106 : memref<1x64x128xf32, #tpu.memory_space<vmem>> -> memref<64x128xf32, #tpu.memory_space<vmem>>
    %dma_start3A_108 = arith.constant 0 : i32
    %dma_start3A_109 = tpu.memref_slice %arg4[%add3A_102, %dma_start3A_108] : memref<4096x128xf32, #tpu.memory_space<hbm>> -> memref<64x128xf32, #tpu.memory_space<hbm>>
    %dma_start3A_110 = arith.constant 0 : i32
    %dma_start3A_111 = tpu.memref_slice %arg4[%add3A_102, %dma_start3A_110] : memref<4096x128xf32, #tpu.memory_space<hbm>> -> memref<64x128xf32, #tpu.memory_space<hbm>>
    %dma_start3A_112 = arith.constant 0 : i32
    %dma_start3A_113 = arith.constant 0 : i32
    %dma_start3A_114 = tpu.memref_slice %arg6[%dma_start3A_103, %dma_start3A_112, %dma_start3A_113] : memref<4x64x128xf32, #tpu.memory_space<vmem>> -> memref<1x64x128xf32, #tpu.memory_space<vmem>>
    %dma_start3A_115 = tpu.memref_squeeze %dma_start3A_114 : memref<1x64x128xf32, #tpu.memory_space<vmem>> -> memref<64x128xf32, #tpu.memory_space<vmem>>
    tpu.enqueue_dma source(%dma_start3A_115 : memref<64x128xf32, #tpu.memory_space<vmem>>) target(%dma_start3A_111 : memref<64x128xf32, #tpu.memory_space<hbm>>) target_semaphore(%arg13 : memref<!tpu.dma_semaphore, #tpu.memory_space<semaphore_mem>>)
    %dma_wait3A_116 = arith.constant 3 : i32
    %dma_wait3A_117 = arith.constant 0 : i32
    %dma_wait3A_118 = arith.constant 0 : i32
    %dma_wait3A_119 = tpu.memref_slice %arg6[%dma_wait3A_116, %dma_wait3A_117, %dma_wait3A_118] : memref<4x64x128xf32, #tpu.memory_space<vmem>> -> memref<1x64x128xf32, #tpu.memory_space<vmem>>
    %dma_wait3A_120 = tpu.memref_squeeze %dma_wait3A_119 : memref<1x64x128xf32, #tpu.memory_space<vmem>> -> memref<64x128xf32, #tpu.memory_space<vmem>>
    %dma_wait3A_121 = arith.constant 192 : i32
    %dma_wait3A_122 = tpu.memref_slice %arg5[%dma_wait3A_121] : memref<256xi32, #tpu.memory_space<vmem>> -> memref<64xi32, #tpu.memory_space<vmem>>
    %dma_wait3A_123 = arith.constant 0 : i32
    %dma_wait3A_124 = arith.constant 0 : i32
    %dma_wait3A_125 = tpu.memref_slice %arg2[%dma_wait3A_123, %dma_wait3A_124] : memref<1000000x128xf32, #tpu.memory_space<hbm>> -> memref<1000000x128xf32, #tpu.memory_space<hbm>>
    tpu.wait_indirect_dma semaphore(%arg10 : memref<!tpu.dma_semaphore, #tpu.memory_space<semaphore_mem>>) src(%dma_wait3A_125 : memref<1000000x128xf32, #tpu.memory_space<hbm>>) dst(%dma_wait3A_120 : memref<64x128xf32, #tpu.memory_space<vmem>>)
    %add3A_126 = arith.constant 192 : i32
    %add3A_127 = arith.addi %mul3A_2, %add3A_126 : i32
    %dma_start3A_128 = arith.constant 3 : i32
    %dma_start3A_129 = arith.constant 0 : i32
    %dma_start3A_130 = arith.constant 0 : i32
    %dma_start3A_131 = tpu.memref_slice %arg6[%dma_start3A_128, %dma_start3A_129, %dma_start3A_130] : memref<4x64x128xf32, #tpu.memory_space<vmem>> -> memref<1x64x128xf32, #tpu.memory_space<vmem>>
    %dma_start3A_132 = tpu.memref_squeeze %dma_start3A_131 : memref<1x64x128xf32, #tpu.memory_space<vmem>> -> memref<64x128xf32, #tpu.memory_space<vmem>>
    %dma_start3A_133 = arith.constant 0 : i32
    %dma_start3A_134 = tpu.memref_slice %arg4[%add3A_127, %dma_start3A_133] : memref<4096x128xf32, #tpu.memory_space<hbm>> -> memref<64x128xf32, #tpu.memory_space<hbm>>
    %dma_start3A_135 = arith.constant 0 : i32
    %dma_start3A_136 = tpu.memref_slice %arg4[%add3A_127, %dma_start3A_135] : memref<4096x128xf32, #tpu.memory_space<hbm>> -> memref<64x128xf32, #tpu.memory_space<hbm>>
    %dma_start3A_137 = arith.constant 0 : i32
    %dma_start3A_138 = arith.constant 0 : i32
    %dma_start3A_139 = tpu.memref_slice %arg6[%dma_start3A_128, %dma_start3A_137, %dma_start3A_138] : memref<4x64x128xf32, #tpu.memory_space<vmem>> -> memref<1x64x128xf32, #tpu.memory_space<vmem>>
    %dma_start3A_140 = tpu.memref_squeeze %dma_start3A_139 : memref<1x64x128xf32, #tpu.memory_space<vmem>> -> memref<64x128xf32, #tpu.memory_space<vmem>>
    tpu.enqueue_dma source(%dma_start3A_140 : memref<64x128xf32, #tpu.memory_space<vmem>>) target(%dma_start3A_136 : memref<64x128xf32, #tpu.memory_space<hbm>>) target_semaphore(%arg14 : memref<!tpu.dma_semaphore, #tpu.memory_space<semaphore_mem>>)
    %dma_wait3A_141 = arith.constant 0 : i32
    %dma_wait3A_142 = arith.constant 0 : i32
    %dma_wait3A_143 = arith.constant 0 : i32
    %dma_wait3A_144 = tpu.memref_slice %arg6[%dma_wait3A_141, %dma_wait3A_142, %dma_wait3A_143] : memref<4x64x128xf32, #tpu.memory_space<vmem>> -> memref<1x64x128xf32, #tpu.memory_space<vmem>>
    %dma_wait3A_145 = tpu.memref_squeeze %dma_wait3A_144 : memref<1x64x128xf32, #tpu.memory_space<vmem>> -> memref<64x128xf32, #tpu.memory_space<vmem>>
    %dma_wait3A_146 = arith.constant 0 : i32
    %dma_wait3A_147 = tpu.memref_slice %arg4[%add3A_52, %dma_wait3A_146] : memref<4096x128xf32, #tpu.memory_space<hbm>> -> memref<64x128xf32, #tpu.memory_space<hbm>>
    %dma_wait3A_148 = arith.constant 0 : i32
    %dma_wait3A_149 = tpu.memref_slice %arg4[%add3A_52, %dma_wait3A_148] : memref<4096x128xf32, #tpu.memory_space<hbm>> -> memref<64x128xf32, #tpu.memory_space<hbm>>
    %dma_wait3A_150 = arith.constant 0 : i32
    %dma_wait3A_151 = arith.constant 0 : i32
    %dma_wait3A_152 = tpu.memref_slice %arg6[%dma_wait3A_141, %dma_wait3A_150, %dma_wait3A_151] : memref<4x64x128xf32, #tpu.memory_space<vmem>> -> memref<1x64x128xf32, #tpu.memory_space<vmem>>
    %dma_wait3A_153 = tpu.memref_squeeze %dma_wait3A_152 : memref<1x64x128xf32, #tpu.memory_space<vmem>> -> memref<64x128xf32, #tpu.memory_space<vmem>>
    tpu.wait_dma2 semaphore(%arg11 : memref<!tpu.dma_semaphore, #tpu.memory_space<semaphore_mem>>) src(%dma_wait3A_153 : memref<64x128xf32, #tpu.memory_space<vmem>>) dst(%dma_wait3A_149 : memref<64x128xf32, #tpu.memory_space<hbm>>)
    %dma_wait3A_154 = arith.constant 1 : i32
    %dma_wait3A_155 = arith.constant 0 : i32
    %dma_wait3A_156 = arith.constant 0 : i32
    %dma_wait3A_157 = tpu.memref_slice %arg6[%dma_wait3A_154, %dma_wait3A_155, %dma_wait3A_156] : memref<4x64x128xf32, #tpu.memory_space<vmem>> -> memref<1x64x128xf32, #tpu.memory_space<vmem>>
    %dma_wait3A_158 = tpu.memref_squeeze %dma_wait3A_157 : memref<1x64x128xf32, #tpu.memory_space<vmem>> -> memref<64x128xf32, #tpu.memory_space<vmem>>
    %dma_wait3A_159 = arith.constant 0 : i32
    %dma_wait3A_160 = tpu.memref_slice %arg4[%add3A_77, %dma_wait3A_159] : memref<4096x128xf32, #tpu.memory_space<hbm>> -> memref<64x128xf32, #tpu.memory_space<hbm>>
    %dma_wait3A_161 = arith.constant 0 : i32
    %dma_wait3A_162 = tpu.memref_slice %arg4[%add3A_77, %dma_wait3A_161] : memref<4096x128xf32, #tpu.memory_space<hbm>> -> memref<64x128xf32, #tpu.memory_space<hbm>>
    %dma_wait3A_163 = arith.constant 0 : i32
    %dma_wait3A_164 = arith.constant 0 : i32
    %dma_wait3A_165 = tpu.memref_slice %arg6[%dma_wait3A_154, %dma_wait3A_163, %dma_wait3A_164] : memref<4x64x128xf32, #tpu.memory_space<vmem>> -> memref<1x64x128xf32, #tpu.memory_space<vmem>>
    %dma_wait3A_166 = tpu.memref_squeeze %dma_wait3A_165 : memref<1x64x128xf32, #tpu.memory_space<vmem>> -> memref<64x128xf32, #tpu.memory_space<vmem>>
    tpu.wait_dma2 semaphore(%arg12 : memref<!tpu.dma_semaphore, #tpu.memory_space<semaphore_mem>>) src(%dma_wait3A_166 : memref<64x128xf32, #tpu.memory_space<vmem>>) dst(%dma_wait3A_162 : memref<64x128xf32, #tpu.memory_space<hbm>>)
    %dma_wait3A_167 = arith.constant 2 : i32
    %dma_wait3A_168 = arith.constant 0 : i32
    %dma_wait3A_169 = arith.constant 0 : i32
    %dma_wait3A_170 = tpu.memref_slice %arg6[%dma_wait3A_167, %dma_wait3A_168, %dma_wait3A_169] : memref<4x64x128xf32, #tpu.memory_space<vmem>> -> memref<1x64x128xf32, #tpu.memory_space<vmem>>
    %dma_wait3A_171 = tpu.memref_squeeze %dma_wait3A_170 : memref<1x64x128xf32, #tpu.memory_space<vmem>> -> memref<64x128xf32, #tpu.memory_space<vmem>>
    %dma_wait3A_172 = arith.constant 0 : i32
    %dma_wait3A_173 = tpu.memref_slice %arg4[%add3A_102, %dma_wait3A_172] : memref<4096x128xf32, #tpu.memory_space<hbm>> -> memref<64x128xf32, #tpu.memory_space<hbm>>
    %dma_wait3A_174 = arith.constant 0 : i32
    %dma_wait3A_175 = tpu.memref_slice %arg4[%add3A_102, %dma_wait3A_174] : memref<4096x128xf32, #tpu.memory_space<hbm>> -> memref<64x128xf32, #tpu.memory_space<hbm>>
    %dma_wait3A_176 = arith.constant 0 : i32
    %dma_wait3A_177 = arith.constant 0 : i32
    %dma_wait3A_178 = tpu.memref_slice %arg6[%dma_wait3A_167, %dma_wait3A_176, %dma_wait3A_177] : memref<4x64x128xf32, #tpu.memory_space<vmem>> -> memref<1x64x128xf32, #tpu.memory_space<vmem>>
    %dma_wait3A_179 = tpu.memref_squeeze %dma_wait3A_178 : memref<1x64x128xf32, #tpu.memory_space<vmem>> -> memref<64x128xf32, #tpu.memory_space<vmem>>
    tpu.wait_dma2 semaphore(%arg13 : memref<!tpu.dma_semaphore, #tpu.memory_space<semaphore_mem>>) src(%dma_wait3A_179 : memref<64x128xf32, #tpu.memory_space<vmem>>) dst(%dma_wait3A_175 : memref<64x128xf32, #tpu.memory_space<hbm>>)
    %dma_wait3A_180 = arith.constant 3 : i32
    %dma_wait3A_181 = arith.constant 0 : i32
    %dma_wait3A_182 = arith.constant 0 : i32
    %dma_wait3A_183 = tpu.memref_slice %arg6[%dma_wait3A_180, %dma_wait3A_181, %dma_wait3A_182] : memref<4x64x128xf32, #tpu.memory_space<vmem>> -> memref<1x64x128xf32, #tpu.memory_space<vmem>>
    %dma_wait3A_184 = tpu.memref_squeeze %dma_wait3A_183 : memref<1x64x128xf32, #tpu.memory_space<vmem>> -> memref<64x128xf32, #tpu.memory_space<vmem>>
    %dma_wait3A_185 = arith.constant 0 : i32
    %dma_wait3A_186 = tpu.memref_slice %arg4[%add3A_127, %dma_wait3A_185] : memref<4096x128xf32, #tpu.memory_space<hbm>> -> memref<64x128xf32, #tpu.memory_space<hbm>>
    %dma_wait3A_187 = arith.constant 0 : i32
    %dma_wait3A_188 = tpu.memref_slice %arg4[%add3A_127, %dma_wait3A_187] : memref<4096x128xf32, #tpu.memory_space<hbm>> -> memref<64x128xf32, #tpu.memory_space<hbm>>
    %dma_wait3A_189 = arith.constant 0 : i32
    %dma_wait3A_190 = arith.constant 0 : i32
    %dma_wait3A_191 = tpu.memref_slice %arg6[%dma_wait3A_180, %dma_wait3A_189, %dma_wait3A_190] : memref<4x64x128xf32, #tpu.memory_space<vmem>> -> memref<1x64x128xf32, #tpu.memory_space<vmem>>
    %dma_wait3A_192 = tpu.memref_squeeze %dma_wait3A_191 : memref<1x64x128xf32, #tpu.memory_space<vmem>> -> memref<64x128xf32, #tpu.memory_space<vmem>>
    tpu.wait_dma2 semaphore(%arg14 : memref<!tpu.dma_semaphore, #tpu.memory_space<semaphore_mem>>) src(%dma_wait3A_192 : memref<64x128xf32, #tpu.memory_space<vmem>>) dst(%dma_wait3A_188 : memref<64x128xf32, #tpu.memory_space<hbm>>)
    return
  }
}

module attributes {stable_mosaic.version = 14 : i64} {
  func.func @_tc_stage2_body(%arg0: i32, %arg1: memref<1xf32, #tpu.memory_space<smem>>, %arg2: memref<2048x128xf32, #tpu.memory_space<vmem>>, %arg3: memref<2048x128xbf16, #tpu.memory_space<vmem>>, %arg4: memref<1x1x2048xf32, #tpu.memory_space<vmem>>, %arg5: memref<1x1xf32, #tpu.memory_space<smem>>, %arg6: memref<1x1xf32, #tpu.memory_space<smem>>) attributes {dimension_semantics = [#tpu.dimension_semantics<arbitrary>], iteration_bounds = array<i64: 2>, scalar_prefetch = 0 : i64, scratch_operands = 1 : i64, tpu.core_type = #tpu.core_type<tc>, window_params = [{transform_indices = @transform_0, window_bounds = array<i64: 1>}, {transform_indices = @transform_1, window_bounds = array<i64: 2048, 128>}, {transform_indices = @transform_2, window_bounds = array<i64: 2048, 128>}, {transform_indices = @transform_3, window_bounds = array<i64: 1, 1, 2048>}, {transform_indices = @transform_4, window_bounds = array<i64: 1, 1>}]} {
    %eq3A = arith.constant 0 : i32
    %eq3A_0 = arith.cmpi eq, %arg0, %eq3A : i32
    %convert_element_type3A = arith.extui %eq3A_0 : i1 to i32
    %cond3A = arith.constant 0 : i32
    %cond3A_1 = arith.cmpi ne, %convert_element_type3A, %cond3A : i32
    scf.if %cond3A_1 {
      %swap3A_38 = arith.constant 0.000000e+00 : f32
      %swap3A_39 = arith.constant 0 : index
      %swap3A_40 = arith.constant 0 : index
      %swap3A_41 = memref.load %arg6[%swap3A_39, %swap3A_40] : memref<1x1xf32, #tpu.memory_space<smem>>
      memref.store %swap3A_38, %arg6[%swap3A_39, %swap3A_40] : memref<1x1xf32, #tpu.memory_space<smem>>
    } else {
    }
    %get3A = arith.constant 0 : index
    %get3A_2 = arith.constant 0 : index
    %get3A_3 = vector.load %arg2[%get3A, %get3A_2] : memref<2048x128xf32, #tpu.memory_space<vmem>>, vector<2048x128xf32>
    %get3A_4 = arith.constant 0 : index
    %get3A_5 = arith.constant 0 : index
    %get3A_6 = vector.load %arg3[%get3A_4, %get3A_5] : memref<2048x128xbf16, #tpu.memory_space<vmem>>, vector<2048x128xbf16>
    %convert_element_type3A_7 = arith.extf %get3A_6 : vector<2048x128xbf16> to vector<2048x128xf32>
    %mul3A = arith.mulf %get3A_3, %convert_element_type3A_7 : vector<2048x128xf32>
    %reduce_sum3A = arith.constant dense<0.000000e+00> : vector<2048xf32>
    %reduce_sum3A_8 = vector.multi_reduction <add>, %mul3A, %reduce_sum3A [1] : vector<2048x128xf32> to vector<2048xf32>
    %mul3A_9 = arith.constant 0.899999976 : f32
    %mul3A_10 = vector.broadcast %mul3A_9 : f32 to vector<2048xf32>
    %mul3A_11 = arith.mulf %mul3A_10, %reduce_sum3A_8 : vector<2048xf32>
    %get3A_12 = arith.constant 0 : index
    %get3A_13 = arith.constant 0 : index
    %get3A_14 = arith.constant 0 : index
    %get3A_15 = vector.load %arg4[%get3A_12, %get3A_13, %get3A_14] : memref<1x1x2048xf32, #tpu.memory_space<vmem>>, vector<1x1x2048xf32>
    %get3A_16 = vector.shape_cast %get3A_15 : vector<1x1x2048xf32> to vector<2048xf32>
    %mul3A_17 = arith.constant 1.000000e-01 : f32
    %mul3A_18 = vector.broadcast %mul3A_17 : f32 to vector<2048xf32>
    %mul3A_19 = arith.mulf %mul3A_18, %get3A_16 : vector<2048xf32>
    %add3A = arith.addf %mul3A_11, %mul3A_19 : vector<2048xf32>
    %get3A_20 = arith.constant 0 : index
    %get3A_21 = arith.constant 0 : index
    %get3A_22 = memref.load %arg6[%get3A_20, %get3A_21] : memref<1x1xf32, #tpu.memory_space<smem>>
    %sub3A = arith.constant 1.000000e+00 : f32
    %sub3A_23 = vector.broadcast %sub3A : f32 to vector<2048xf32>
    %sub3A_24 = arith.subf %sub3A_23, %add3A : vector<2048xf32>
    %log3A = math.log %sub3A_24 : vector<2048xf32>
    %reduce_sum3A_25 = vector.shape_cast %log3A : vector<2048xf32> to vector<1x2048xf32>
    %reduce_sum3A_26 = arith.constant dense<0.000000e+00> : vector<1xf32>
    %reduce_sum3A_27 = vector.multi_reduction <add>, %reduce_sum3A_25, %reduce_sum3A_26 [1] : vector<1x2048xf32> to vector<1xf32>
    %reduce_sum3A_28 = vector.shape_cast %reduce_sum3A_27 : vector<1xf32> to vector<1x1xf32>
    %reduce_sum3A_29 = vector.extract %reduce_sum3A_28[0, 0] : f32 from vector<1x1xf32>
    %add3A_30 = arith.addf %get3A_22, %reduce_sum3A_29 : f32
    %swap3A = arith.constant 0 : index
    %swap3A_31 = arith.constant 0 : index
    %swap3A_32 = memref.load %arg6[%swap3A, %swap3A_31] : memref<1x1xf32, #tpu.memory_space<smem>>
    memref.store %add3A_30, %arg6[%swap3A, %swap3A_31] : memref<1x1xf32, #tpu.memory_space<smem>>
    %eq3A_33 = arith.constant 1 : i32
    %eq3A_34 = arith.cmpi eq, %arg0, %eq3A_33 : i32
    %convert_element_type3A_35 = arith.extui %eq3A_34 : i1 to i32
    %cond3A_36 = arith.constant 0 : i32
    %cond3A_37 = arith.cmpi ne, %convert_element_type3A_35, %cond3A_36 : i32
    scf.if %cond3A_37 {
      %get3A_38 = arith.constant 0 : index
      %get3A_39 = memref.load %arg1[%get3A_38] : memref<1xf32, #tpu.memory_space<smem>>
      %get3A_40 = arith.constant 0 : index
      %get3A_41 = arith.constant 0 : index
      %get3A_42 = memref.load %arg6[%get3A_40, %get3A_41] : memref<1x1xf32, #tpu.memory_space<smem>>
      %div3A = arith.constant 4.096000e+03 : f32
      %div3A_43 = arith.divf %get3A_42, %div3A : f32
      %mul3A_44 = arith.constant 7.000000e+00 : f32
      %mul3A_45 = arith.mulf %mul3A_44, %div3A_43 : f32
      %add3A_46 = arith.addf %get3A_39, %mul3A_45 : f32
      %swap3A_47 = arith.constant 0 : index
      %swap3A_48 = arith.constant 0 : index
      %swap3A_49 = memref.load %arg5[%swap3A_47, %swap3A_48] : memref<1x1xf32, #tpu.memory_space<smem>>
      memref.store %add3A_46, %arg5[%swap3A_47, %swap3A_48] : memref<1x1xf32, #tpu.memory_space<smem>>
    } else {
    }
    return
  }
  func.func @transform_0(%arg0: i32) -> i32 {
    %c0_i32 = arith.constant 0 : i32
    %c0_i32_0 = arith.constant 0 : i32
    return %c0_i32 : i32
  }
  func.func @transform_1(%arg0: i32) -> (i32, i32) {
    %c0_i32 = arith.constant 0 : i32
    %c0_i32_0 = arith.constant 0 : i32
    return %arg0, %c0_i32 : i32, i32
  }
  func.func @transform_2(%arg0: i32) -> (i32, i32) {
    %c0_i32 = arith.constant 0 : i32
    %c0_i32_0 = arith.constant 0 : i32
    return %arg0, %c0_i32 : i32, i32
  }
  func.func @transform_3(%arg0: i32) -> (i32, i32, i32) {
    %c0_i32 = arith.constant 0 : i32
    %c0_i32_0 = arith.constant 0 : i32
    %c0_i32_1 = arith.constant 0 : i32
    return %arg0, %c0_i32, %c0_i32_0 : i32, i32, i32
  }
  func.func @transform_4(%arg0: i32) -> (i32, i32) {
    %c0_i32 = arith.constant 0 : i32
    %c0_i32_0 = arith.constant 0 : i32
    %c0_i32_1 = arith.constant 0 : i32
    return %c0_i32, %c0_i32_0 : i32, i32
  }
}

module attributes {stable_mosaic.version = 14 : i64} {
  func.func @_tc_stage1_body(%arg0: i32, %arg1: memref<2048x128xf32, #tpu.memory_space<vmem>>, %arg2: memref<2048x128xbf16, #tpu.memory_space<vmem>>, %arg3: memref<1x1x2048xf32, #tpu.memory_space<vmem>>) attributes {dimension_semantics = [#tpu.dimension_semantics<arbitrary>], iteration_bounds = array<i64: 2>, scalar_prefetch = 0 : i64, scratch_operands = 0 : i64, tpu.core_type = #tpu.core_type<tc>, window_params = [{transform_indices = @transform_0, window_bounds = array<i64: 2048, 128>}, {transform_indices = @transform_1, window_bounds = array<i64: 2048, 128>}, {transform_indices = @transform_2, window_bounds = array<i64: 1, 1, 2048>}]} {
    %get3A = arith.constant 0 : index
    %get3A_0 = arith.constant 0 : index
    %get3A_1 = vector.load %arg1[%get3A, %get3A_0] : memref<2048x128xf32, #tpu.memory_space<vmem>>, vector<2048x128xf32>
    %reduce_max3A = arith.constant dense<0xFF800000> : vector<2048xf32>
    %reduce_max3A_2 = vector.multi_reduction <maximumf>, %get3A_1, %reduce_max3A [1] : vector<2048x128xf32> to vector<2048xf32>
    %broadcast_in_dim3A = vector.shape_cast %reduce_max3A_2 : vector<2048xf32> to vector<2048x1xf32>
    %sub3A = vector.broadcast %broadcast_in_dim3A : vector<2048x1xf32> to vector<2048x128xf32>
    %sub3A_3 = arith.subf %get3A_1, %sub3A : vector<2048x128xf32>
    %exp3A = math.exp %sub3A_3 : vector<2048x128xf32>
    %reduce_sum3A = arith.constant dense<0.000000e+00> : vector<2048xf32>
    %reduce_sum3A_4 = vector.multi_reduction <add>, %exp3A, %reduce_sum3A [1] : vector<2048x128xf32> to vector<2048xf32>
    %broadcast_in_dim3A_5 = vector.shape_cast %reduce_sum3A_4 : vector<2048xf32> to vector<2048x1xf32>
    %div3A = vector.broadcast %broadcast_in_dim3A_5 : vector<2048x1xf32> to vector<2048x128xf32>
    %div3A_6 = arith.divf %exp3A, %div3A : vector<2048x128xf32>
    %jit3A = arith.constant 9.99999974E-5 : f32
    %jit3A_7 = arith.constant 0.999899983 : f32
    %max3A = vector.broadcast %jit3A : f32 to vector<2048x128xf32>
    %max3A_8 = arith.maximumf %max3A, %div3A_6 : vector<2048x128xf32>
    %min3A = vector.broadcast %jit3A_7 : f32 to vector<2048x128xf32>
    %min3A_9 = arith.minimumf %min3A, %max3A_8 : vector<2048x128xf32>
    %reduce_sum3A_10 = arith.constant dense<0.000000e+00> : vector<2048xf32>
    %reduce_sum3A_11 = vector.multi_reduction <add>, %min3A_9, %reduce_sum3A_10 [1] : vector<2048x128xf32> to vector<2048xf32>
    %broadcast_in_dim3A_12 = vector.shape_cast %reduce_sum3A_11 : vector<2048xf32> to vector<2048x1xf32>
    %div3A_13 = vector.broadcast %broadcast_in_dim3A_12 : vector<2048x1xf32> to vector<2048x128xf32>
    %div3A_14 = arith.divf %min3A_9, %div3A_13 : vector<2048x128xf32>
    %convert_element_type3A = arith.truncf %min3A_9 : vector<2048x128xf32> to vector<2048x128xbf16>
    %swap3A = arith.constant 0 : index
    %swap3A_15 = arith.constant 0 : index
    %swap3A_16 = vector.load %arg2[%swap3A, %swap3A_15] : memref<2048x128xbf16, #tpu.memory_space<vmem>>, vector<2048x128xbf16>
    tpu.vector_store %arg2[%swap3A, %swap3A_15], %convert_element_type3A {strides = array<i32>} : memref<2048x128xbf16, #tpu.memory_space<vmem>>, vector<2048x128xbf16>,
    %mul3A = arith.mulf %div3A_14, %min3A_9 : vector<2048x128xf32>
    %reduce_sum3A_17 = arith.constant dense<0.000000e+00> : vector<2048xf32>
    %reduce_sum3A_18 = vector.multi_reduction <add>, %mul3A, %reduce_sum3A_17 [1] : vector<2048x128xf32> to vector<2048xf32>
    %broadcast_in_dim3A_19 = vector.shape_cast %reduce_sum3A_18 : vector<2048xf32> to vector<1x1x2048xf32>
    %swap3A_20 = arith.constant 0 : index
    %swap3A_21 = arith.constant 0 : index
    %swap3A_22 = arith.constant 0 : index
    %swap3A_23 = vector.load %arg3[%swap3A_20, %swap3A_21, %swap3A_22] : memref<1x1x2048xf32, #tpu.memory_space<vmem>>, vector<1x1x2048xf32>
    tpu.vector_store %arg3[%swap3A_20, %swap3A_21, %swap3A_22], %broadcast_in_dim3A_19 {strides = array<i32>} : memref<1x1x2048xf32, #tpu.memory_space<vmem>>, vector<1x1x2048xf32>,
    return
  }
  func.func @transform_0(%arg0: i32) -> (i32, i32) {
    %c0_i32 = arith.constant 0 : i32
    %c0_i32_0 = arith.constant 0 : i32
    return %arg0, %c0_i32 : i32, i32
  }
  func.func @transform_1(%arg0: i32) -> (i32, i32) {
    %c0_i32 = arith.constant 0 : i32
    %c0_i32_0 = arith.constant 0 : i32
    return %arg0, %c0_i32 : i32, i32
  }
  func.func @transform_2(%arg0: i32) -> (i32, i32, i32) {
    %c0_i32 = arith.constant 0 : i32
    %c0_i32_0 = arith.constant 0 : i32
    %c0_i32_1 = arith.constant 0 : i32
    return %arg0, %c0_i32, %c0_i32_0 : i32, i32, i32
  }
}

</mosaic_0001>

<sc_bundles>
// kernel: kernel.5.cloned.1.call-start
scs
__scs_entry_jumppad:
0x0: {  	(pc) =	sbr.rel $0x88, $3  }
0x1: {  	(tag) =	ssettag $0x0;
	lr =	simm.s32 $0x1  }
0x2: {  	[smem:$0x3F9D] =	sst lr;
	_ =	strace $0xD0000000  }
0x3: {  	_ = 	snop  }
0x4: {  	_ = 	snop  }
0x5: {  	_ = 	snop  }
0x6: {  	_ = 	snop  }
0x7: {  	_ = 	snop  }
__scs_overlays_trampoline_lowered:
0x8: {  	[smem:$0x3FAC] =	sst s0  }
0x9: {  	[smem:$0x3FAD] =	sst s1  }
0xa: {  	[smem:$0x3FAE] =	sst s2  }
0xb: {  	[smem:$0x3FAF] =	sst s3  }
0xc: {  	[smem:$0x3FB0] =	sst s4  }
0xd: {  	[smem:$0x3FB1] =	sst s5  }
0xe: {  	[smem:$0x3FB2] =	sst s6  }
0xf: {  	[smem:$0x3FB3] =	sst s7  }
0x10: {  	[smem:$0x3FB4] =	sst s8  }
0x11: {  	[smem:$0x3FB5] =	sst s9;
	s0 =	simm.s32 @!p0 $0x0  }
0x12: {  	s1 =	sld [smem:$0x3F9B];
	s0 =	simm.s32 @p0 $0x1  }
0x13: {  	[smem:$0x3FB6] =	sst s0;
	s0 =	simm.s32 @!p1 $0x0  }
0x14: {  	s2 =	sld [smem:$0x3F9A];
	s0 =	simm.s32 @p1 $0x1  }
0x15: {  	[smem:$0x3FB7] =	sst s0;
	s0 =	simm.s32 @!p2 $0x0  }
0x16: {  	s3 =	sld [smem:$0x3FDB];
	s0 =	simm.s32 @p2 $0x1  }
0x17: {  	s4 =	simm.s32 $0x1BF5;
	[smem:$0x3FB9] =	sst s0  }
0x18: {  	s0 =	sld [smem:$0x3F9C];
	_ =	swait.ge [sflag:s4], $0x0  }
0x19: {  	s7 =	sld [smem:$0x3F9D]  }
0x1a: {  	s8 =	sadd.s32 $0xFFFFE003, lr  }
0x1b: {  	s9 =	sadd.s32 $0xFFFFFEF7, lr;
	s5 =	simm.s32 $0xFFFFFFFF;
	p2 =	slt.u32 s8, $0xFFFFF086  }
0x1c: {  	p1 =	slt.u32 s9, $0xF7A;
	s5 =	simm.s32 @!p2 $0x0  }
0x1d: {  	s5 =	simm.s32 @p1 $0x1;
	p0 =	seq.s32 s7, s2  }
0x1e: {  	s7 =	smul.u32 @!p0 $0xF7A, s2;
	p2 =	seq.s32 @!p0 s5, $0x0  }
0x1f: {  	s9 =	smul.u32 $0xF7A, s1;
	s8 =	simm.s32 @!p0 $0x1BF5;
	p2 =	por !p2, p0  }
0x20: {  	[sflag:s8] =	ssyncset.s32 @!p0 $0xFFFFF086;
	s6 =	sadd.s32 @!p0 s3, s7;
	s7 =	simm.s32 @!p0 $0x108  }
0x21: {  	s3 =	sadd.s32 s3, s9;
	s6 =	sadd.s32 @!p0 $0x88, s6;
	s7 =	simm.s32 @p2 $0x1082  }
0x22: {  	[simem:s7], [sflag:s8] =	dma.local @!p0 [hbm:s6], $0xF7A  }
0x23: {  	s9 =	sor.u32 $0xD0000000, s2;
	s6 =	simm.s32 $0x108;
	_ =	swait.ge @!p0 [sflag:s8], $0x0  }
0x24: {  	s3 =	sadd.s32 $0x88, s3;
	s6 =	simm.s32 @!p1 $0x1082;
	[sflag:s4] =	ssyncset.s32 $0xFFFFF086  }
0x25: {  	[simem:s6], [sflag:s4] =	dma.local [hbm:s3], $0xF7A  }
0x26: {  	[smem:$0x3F9D] =	sst s1;
	(tag) =	ssettag s2;
	_ =	strace s9  }
0x27: {  	s1 =	sld [smem:$0x3FAD]  }
0x28: {  	s2 =	sld [smem:$0x3FAE]  }
0x29: {  	s4 =	sld [smem:$0x3FB0]  }
0x2a: {  	p0 =	seq.s32 s5, $0x0;
	s5 =	sld [smem:$0x3FB1]  }
0x2b: {  	s6 =	sld [smem:$0x3FB2]  }
0x2c: {  	s7 =	sld [smem:$0x3FB3]  }
0x2d: {  	s3 =	simm.s32 $0x108;
	s8 =	sld [smem:$0x3FB4]  }
0x2e: {  	s3 =	simm.s32 @!p0 $0x1082;
	s9 =	sld [smem:$0x3FB5]  }
0x2f: {  	lr =	sadd.s32 s0, s3;
	s0 =	sld [smem:$0x3FAC]  }
0x30: {  	s3 =	sld [smem:$0x3FAF]  }
0x31: {  	[smem:$0x3FB8] =	sst s10  }
0x32: {  	s10 =	sld [smem:$0x3FB6];
	_ =	sdelay $0x3  }
0x33: {  	p0 =	seq.s32 s10, $0x1;
	s10 =	sld [smem:$0x3FB8];
	_ =	sdelay $0x3  }
0x34: {  	[smem:$0x3FB8] =	sst s10  }
0x35: {  	s10 =	sld [smem:$0x3FB7];
	_ =	sdelay $0x3  }
0x36: {  	p1 =	seq.s32 s10, $0x1;
	s10 =	sld [smem:$0x3FB8];
	_ =	sdelay $0x3  }
0x37: {  	[smem:$0x3FB8] =	sst s10  }
0x38: {  	s10 =	sld [smem:$0x3FB9]  }
0x39: {  	_ = 	snop;
	(pc) =	sbr.ind lr, $3  }
0x3a: {  	_ = 	snop  }
0x3b: {  	_ = 	snop  }
0x3c: {  	p2 =	seq.s32 s10, $0x1;
	s10 =	sld [smem:$0x3FB8]  }
0x3d: {  	_ =	shalt  }
0x3e: {  	_ =	shalt  }
0x3f: {  	_ =	shalt  }
0x40: {  	_ =	shalt  }
0x41: {  	_ =	shalt  }
0x42: {  	_ =	shalt  }
0x43: {  	_ =	shalt  }
0x44: {  	_ =	shalt  }
0x45: {  	_ =	shalt  }
0x46: {  	_ =	shalt  }
0x47: {  	_ =	shalt  }
0x48: {  	_ =	shalt  }
0x49: {  	_ =	shalt  }
0x4a: {  	_ =	shalt  }
0x4b: {  	_ =	shalt  }
0x4c: {  	_ =	shalt  }
0x4d: {  	_ =	shalt  }
0x4e: {  	_ =	shalt  }
0x4f: {  	_ =	shalt  }
0x50: {  	_ =	shalt  }
0x51: {  	_ =	shalt  }
0x52: {  	_ =	shalt  }
0x53: {  	_ =	shalt  }
0x54: {  	_ =	shalt  }
0x55: {  	_ =	shalt  }
0x56: {  	_ =	shalt  }
0x57: {  	_ =	shalt  }
0x58: {  	_ =	shalt  }
0x59: {  	_ =	shalt  }
0x5a: {  	_ =	shalt  }
0x5b: {  	_ =	shalt  }
0x5c: {  	_ =	shalt  }
0x5d: {  	_ =	shalt  }
0x5e: {  	_ =	shalt  }
0x5f: {  	_ =	shalt  }
0x60: {  	_ =	shalt  }
0x61: {  	_ =	shalt  }
0x62: {  	_ =	shalt  }
0x63: {  	_ =	shalt  }
0x64: {  	_ =	shalt  }
0x65: {  	_ =	shalt  }
0x66: {  	_ =	shalt  }
0x67: {  	_ =	shalt  }
0x68: {  	_ =	shalt  }
0x69: {  	_ =	shalt  }
0x6a: {  	_ =	shalt  }
0x6b: {  	_ =	shalt  }
0x6c: {  	_ =	shalt  }
0x6d: {  	_ =	shalt  }
0x6e: {  	_ =	shalt  }
0x6f: {  	_ =	shalt  }
0x70: {  	_ =	shalt  }
0x71: {  	_ =	shalt  }
0x72: {  	_ =	shalt  }
0x73: {  	_ =	shalt  }
0x74: {  	_ =	shalt  }
0x75: {  	_ =	shalt  }
0x76: {  	_ =	shalt  }
0x77: {  	_ =	shalt  }
0x78: {  	_ =	shalt  }
0x79: {  	_ =	shalt  }
0x7a: {  	_ =	shalt  }
0x7b: {  	_ =	shalt  }
0x7c: {  	_ =	shalt  }
0x7d: {  	_ =	shalt  }
0x7e: {  	_ =	shalt  }
0x7f: {  	_ =	shalt  }
0x80: {  	_ =	shalt  }
0x81: {  	_ =	shalt  }
0x82: {  	_ =	shalt  }
0x83: {  	_ =	shalt  }
0x84: {  	_ =	shalt  }
0x85: {  	_ =	shalt  }
0x86: {  	_ =	shalt  }
0x87: {  	_ =	shalt  }
.Lfunc_end0:
.L_simem_size_0:
called_computation_lowered:
.L_overlay_start_0:
0x88: {  	s0 =	sld [smem:$0x3FD9]  }
0x89: {  	s1 =	sld [smem:$0x3FFE];
	_ =	sdelay $0x3  }
0x8a: {  	s0 =	sadd.s32 s1, s0  }
0x8b: {  	[smem:$0x3FC4] =	sst s0  }
0x8c: {  	_ = 	snop  }
0x8d: {  	s0 =	sld [smem:$0x3FC9]  }
0x8e: {  	s16 =	sld [smem:$0x3FC6];
	(tm) =	ssettm $0x1  }
0x8f: {  	s2 =	sld [smem:$0x3FFB];
	_ =	sdelay $0x3  }
0x90: {  	_ =	strace s2  }
0x91: {  	s2 =	sld [smem:$0x3FFC];
	_ =	sdelay $0x3  }
0x92: {  	_ =	strace s2  }
0x93: {  	s2 =	sld [smem:$0x3FFD];
	_ =	sdelay $0x3  }
0x94: {  	_ =	strace s2  }
0x95: {  	_ =	strace $0x8FFFFFFF  }
0x96: {  	s17 =	sld [smem:$0x3FDB];
	_ =	sdelay $0x1  }
0x97: {  	s3 =	simm.s32 $_scs_section_size  }
0x98: {  	s4 =	simm.s32 $_size__tile_overlayer_lowered;
	s5 =	simm.s32 $_tile_overlayer_lowered  }
0x99: {  	s20 =	simm.s32 $0x1BFF;
	s19 =	sshll.u32 s5, $0x1;
	s2 =	sadd.s32 s3, s17  }
0x9a: {  	s6 =	simm.s32 $0x0;
	s18 =	sshll.u32 s4, $0x1;
	s4 =	sadd.s32 s19, s2  }
0x9b: {  	[timem:s6], [sflag:s20] =	dma.local [hbm:s4], s18  }
0x9c: {  	_ =	swait.ge [sflag:s20], s18  }
0x9d: {  	s3 =	ssub.s32 $0x0, s18;
	[sflag:s20] =	ssyncset.done $0x0  }
0x9e: {  	[sflag:s20] =	ssyncadd.s32 s3;
	_ =	sdelay $0x1  }
0x9f: {  	s21 =	simm.s32 $0x1B8B  }
0xa0: {  	_ =	swait.ge [sflag:s21], $0x1  }
0xa1: {  	[sflag:s21] =	ssyncset.done $0x0  }
0xa2: {  	s23 =	simm.s32 $0x1B8E;
	s22 =	sld [smem:$0x3FFE];
	[sflag:s21] =	ssyncadd.s32 $0xFFFFFFFF  }
0xa3: {  	s24 =	simm.s32 $execute0_lowered;
	[smem:$0x3FD2] =	sst s23  }
0xa4: {  	s4 =	sshll.u32 s24, $0x1;
	_ =	strace $0x80000046;
	[dreg:$0x1] =	wrdreg $0xFFFFFFFF  }
0xa5: {  	s25 =	simm.s32 $_size_execute0_lowered;
	s2 =	sadd.s32 s2, s4;
	[dreg:$0x0] =	wrdreg $0x0  }
0xa6: {  	s4 =	sshll.u32 s25, $0x1;
	[dreg:$0x2] =	wrdreg s2  }
0xa7: {  	[dreg:$0x3] =	wrdreg s4  }
0xa8: {  	[dreg:$0x4] =	wrdreg $0xC0  }
0xa9: {  	_ =	task [dreg:s6], $0x5FFFF  }
0xaa: {  	[dreg:$0x1] =	wrdreg $0xFFFFFFFF  }
0xab: {  	[dreg:$0x0] =	wrdreg $0x60  }
0xac: {  	[dreg:$0x2] =	wrdreg s16  }
0xad: {  	[dreg:$0x3] =	wrdreg s0  }
0xae: {  	[dreg:$0x4] =	wrdreg s22  }
0xaf: {  	[dreg:$0x5] =	wrdreg $0x9  }
0xb0: {  	_ =	task.clear_ibuf [dreg:s6], $0x6FFFF;
	_ =	strace $0x90000046  }
0xb1: {  	s26 =	simm.s32 $0x9;
	_ =	strace $0x80000048  }
0xb2: {  	_ =	swait.ge [sflag:s26], $0x1  }
0xb3: {  	[sflag:s26] =	ssyncadd.s32 $0xFFFFFFFF  }
0xb4: {  	_ =	strace $0x90000048  }
0xb5: {  	_ =	sfence  }
0xb6: {  	s28 =	sld [smem:$0x0];
	_ =	sdelay $0x1  }
0xb7: {  	s29 =	srdreg.scid  }
0xb8: {  	s30 =	sshll.u32 s29, $0xD;
	s31 =	sshrl.u32 s29, $0x2  }
0xb9: {  	s1 =	sand.u32 $0x1, s29;
	s2 =	sand.u32 $0x4000, s30;
	s0 =	sadd.s32 s31, s28  }
0xba: {  	s1 =	sor.u32 s2, s1;
	s0 =	sshll.u32 s0, $0x11  }
0xbb: {  	s0 =	sor.u32 s0, s1  }
0xbc: {  	s0 =	sadd.s32 $0x8F2B, s0  }
0xbd: {  	[sflag:s0] =	ssyncadd.remote.s32 $0x1  }
0xbe: {  	_ =	sfence.sel $0xFFFF  }
0xbf: {  	[dreg:$0x0] =	wrdreg $0xFFFFFFFF;
	(pc) =	sbr.abs _section_cstart, $3  }
0xc0: {  	[dreg:$0x1] =	wrdreg $0xFFFFFFFF  }
0xc1: {  	_ =	task.clear_ibuf [dreg:s6], $0x2FFFF;
	_ =	strace $0x9FFFFFFF  }
0xc2: {  	(tm) =	ssettm $0x7FFFFFFF  }
0xc3: {  	_ =	shalt  }
tec
execute0_lowered:
.L_overlay_start_1:
0x0: {  	(tag) =	ssettag $0x1  }
0x1: {  	s2 =	rddreg [dreg:$0x0]  }
0x2: {  	s3 =	rddreg [dreg:$0x1]  }
0x3: {  	s4 =	rddreg [dreg:$0x2]  }
0x4: {  	s0 =	rddreg [dreg:$0x3];
	s5 =	simm.s32 $0x0;
	s1 =	stileid.u32  }
0x5: {  	[smem:$0x7FF] =	sst s5;
	s6 =	sshll.u32 s1, $0x5  }
0x6: {  	s16 =	simm.s32 $0x9;
	_ =	strace $0x80000047;
	s3 =	sadd.s32 s3, s6  }
0x7: {  	[tilespmem:s5], [sflag:$0x9] =	stream.linear.gather [hbm4b:s3+s5], $0x100, $0x38;
	[tilespmem:$0x8100] =	vst v63  }
0x8: {  	_ =	swait.ge [sflag:s16], $0x100  }
0x9: {  	[sflag:s16] =	ssyncset.done $0x0  }
0xa: {  	s17 =	simm.s32 $0x40;
	s18 =	simm.s32 $0x100;
	[sflag:s16] =	ssyncadd.s32 $0xFFFFFF00  }
0xb: {  	[tilespmem:s18], [sflag:$0x1] =	stream.indirect.gather [hbm4b:s2+s17], $0x80, s5, s17, $0xb8;
	[tilespmem:$0x8100] =	vst v63  }
0xc: {  	s7 =	simm.s32 $0x2100  }
0xd: {  	[tilespmem:s7], [sflag:$0x2] =	stream.indirect.gather [hbm4b:s2+s17], $0x80, s17, s17, $0xb8;
	[tilespmem:$0x8100] =	vst v63  }
0xe: {  	s8 =	simm.s32 $0x80;
	s9 =	simm.s32 $0x4100  }
0xf: {  	[tilespmem:s9], [sflag:$0x3] =	stream.indirect.gather [hbm4b:s2+s17], $0x80, s8, s17, $0xb8;
	[tilespmem:$0x8100] =	vst v63  }
0x10: {  	s19 =	simm.s32 $0xC0;
	s10 =	simm.s32 $0x6100;
	s20 =	simm.s32 $0x1  }
0x11: {  	[tilespmem:s10], [sflag:$0x4] =	stream.indirect.gather [hbm4b:s2+s17], $0x80, s19, s17, $0xb8;
	[tilespmem:$0x8100] =	vst v63  }
0x12: {  	s21 =	sshll.u32 s1, $0xC;
	_ =	swait.ge [sflag:s20], $0x2000  }
0x13: {  	s3 =	sadd.s32 s21, s4;
	[sflag:s20] =	ssyncset.done $0x0  }
0x14: {  	s22 =	simm.s32 $0x2;
	s4 =	sadd.s32 $0xA00, s3;
	[sflag:s20] =	ssyncadd.s32 $0xFFFFE000  }
0x15: {  	[hbm4b:s4+s5] =	stream.linear.scatter [tilespmem:s18], [sflag:$0x5], $0x2000, $0x38;
	[tilespmem:$0x8100] =	vst v63  }
0x16: {  	_ =	swait.ge [sflag:s22], $0x2000  }
0x17: {  	[sflag:s22] =	ssyncset.done $0x0  }
0x18: {  	s24 =	simm.s32 $0x3;
	s23 =	sadd.s32 $0xE00, s3;
	[sflag:s22] =	ssyncadd.s32 $0xFFFFE000  }
0x19: {  	[hbm4b:s23+s5] =	stream.linear.scatter [tilespmem:s7], [sflag:$0x6], $0x2000, $0x38;
	[tilespmem:$0x8100] =	vst v63  }
0x1a: {  	_ =	swait.ge [sflag:s24], $0x2000  }
0x1b: {  	[sflag:s24] =	ssyncset.done $0x0  }
0x1c: {  	s26 =	simm.s32 $0x4;
	s25 =	sadd.s32 $0x1200, s3;
	[sflag:s24] =	ssyncadd.s32 $0xFFFFE000  }
0x1d: {  	[hbm4b:s25+s5] =	stream.linear.scatter [tilespmem:s9], [sflag:$0x7], $0x2000, $0x38;
	[tilespmem:$0x8100] =	vst v63  }
0x1e: {  	_ =	swait.ge [sflag:s26], $0x2000  }
0x1f: {  	[sflag:s26] =	ssyncset.done $0x0  }
0x20: {  	s28 =	simm.s32 $0x5;
	s3 =	sadd.s32 $0x1600, s3;
	[sflag:s26] =	ssyncadd.s32 $0xFFFFE000  }
0x21: {  	[hbm4b:s3+s5] =	stream.linear.scatter [tilespmem:s10], [sflag:$0x8], $0x2000, $0x38;
	[tilespmem:$0x8100] =	vst v63  }
0x22: {  	_ =	swait.ge [sflag:s28], $0x2000  }
0x23: {  	[sflag:s28] =	ssyncset.done $0x0  }
0x24: {  	s29 =	simm.s32 $0x6;
	[sflag:s28] =	ssyncadd.s32 $0xFFFFE000  }
0x25: {  	_ =	swait.ge [sflag:s29], $0x2000  }
0x26: {  	[sflag:s29] =	ssyncset.done $0x0  }
0x27: {  	s30 =	simm.s32 $0x7;
	[sflag:s29] =	ssyncadd.s32 $0xFFFFE000  }
0x28: {  	_ =	swait.ge [sflag:s30], $0x2000  }
0x29: {  	[sflag:s30] =	ssyncset.done $0x0  }
0x2a: {  	s31 =	simm.s32 $0x8;
	[sflag:s30] =	ssyncadd.s32 $0xFFFFE000  }
0x2b: {  	_ =	swait.ge [sflag:s31], $0x2000  }
0x2c: {  	[sflag:s31] =	ssyncset.done $0x0  }
0x2d: {  	[sflag:s31] =	ssyncadd.s32 $0xFFFFE000  }
0x2e: {  	_ =	sfence.sel $0x180000  }
0x2f: {  	[bflag:$0x0] =	sbarrier.arrive $0xFFFF  }
0x30: {  	p0 =	sne.s32 s1, $0x0;
	_ =	strace $0x90000047  }
0x31: {  	s0 =	sadd.s32 @!p0 $0x100000, s0;
	[bflag:$0x2] =	sbarrier.arrive $0xFFFF  }
0x32: {  	[sflag:s0] =	ssyncadd.tile.s32 @!p0 $0x1;
	_ =	shalt  }
.Lfunc_end2:
_tile_overlayer_lowered:
.L_overlay_start_2:
0x33: {  	(tag) =	ssettag $0x2  }
0x34: {  	s0 =	rddreg [dreg:$0x0];
	s2 =	stileid.u32  }
0x35: {  	s1 =	rddreg [dreg:$0x1];
	p0 =	sne.s32 s2, $0x0  }
0x36: {  	s3 =	rddreg [dreg:$0x2];
	[bflag:$0x3] =	sbarrier.arrive $0xFFFF;
	s2 =	simm.s32 @!p0 $0x1C09  }
0x37: {  	[timem:s3], [sflag:s2] =	dma.local @!p0 [hbm:s0], s1  }
0x38: {  	s0 =	simm.s32 @!p0 $0x9  }
0x39: {  	_ =	swait.ge @!p0 [sflag:s0], s1  }
0x3a: {  	s1 =	ssub.s32 @!p0 $0x0, s1;
	[sflag:s0] =	ssyncset.done @!p0 $0x0  }
0x3b: {  	[sflag:s0] =	ssyncadd.s32 @!p0 s1  }
0x3c: {  	[bflag:$0x3] =	sbarrier.arrive $0xFFFF  }
0x3d: {  	_ =	shalt  }

</sc_bundles>
